<compile_context>
chip_gen: v7x
topology: tpu7x:2x2x1
jax: 0.10.2.dev20260603
libtpu: 0.0.44.dev20260713+nightly
codegen_flags: <defaults>
</compile_context>

<pallas_src>
import functools

import jax
import jax.numpy as jnp
from jax import lax
from jax.experimental import pallas as pl
from jax.experimental.pallas import tpu as pltpu
from jax.experimental.pallas import tpu_sc as plsc

_NUM_GROUPS = 2
_NUM_VARS = 320

_SC_CORES = 1
_SC_SUBCORES = 16
_SC_WORKERS = _SC_CORES * _SC_SUBCORES


def _argmax_first(h):
    v = h.shape[1]
    m = jnp.max(h, axis=1, keepdims=True)
    iota = lax.broadcasted_iota(jnp.int32, h.shape, 1)
    cand = jnp.where(h == m, iota, v)
    return jnp.min(cand, axis=1, keepdims=True)


def _tc_body(total_tokens, hs_ref, w_ref, b_ref, idx_ref, plex_ref,
             w0_ref, w1_ref, counts_ref):
    i = pl.program_id(0)

    @pl.when(i == 0)
    def _():
        w0_ref[...] = w_ref[:, :_NUM_VARS].astype(jnp.bfloat16)
        w1_ref[...] = w_ref[:, _NUM_VARS:].astype(jnp.bfloat16)
        counts_ref[...] = jnp.zeros_like(counts_ref)

    hs = hs_ref[...].astype(jnp.bfloat16)
    dot = functools.partial(
        lax.dot_general,
        dimension_numbers=(((1,), (0,)), ((), ())),
        preferred_element_type=jnp.float32,
    )
    h0 = dot(hs, w0_ref[...]) + b_ref[0:1, :_NUM_VARS]
    h1 = dot(hs, w1_ref[...]) + b_ref[0:1, _NUM_VARS:]

    idx0 = _argmax_first(h0)
    idx1 = _argmax_first(h1)
    idx_ref[...] = jnp.concatenate(
        [idx0.reshape(1, -1), idx1.reshape(1, -1) + _NUM_VARS], axis=0)

    iota = lax.broadcasted_iota(jnp.int32, h0.shape, 1)
    c0 = jnp.sum(jnp.where(iota == idx0, 1.0, 0.0), axis=0, keepdims=True)
    c1 = jnp.sum(jnp.where(iota == idx1, 1.0, 0.0), axis=0, keepdims=True)
    counts_ref[0:1, :] += c0
    counts_ref[1:2, :] += c1

    @pl.when(i == pl.num_programs(0) - 1)
    def _():
        p = counts_ref[...] * (1.0 / total_tokens)
        ent = jnp.sum(p * jnp.log(p + 1e-7), axis=1, keepdims=True)
        plex_ref[...] = jnp.sum(jnp.exp(-ent), axis=0, keepdims=True)


def _tc_quantize(hs2d, w2d, b2d, block_tokens=512):
    t, hidden = hs2d.shape
    grid = t // block_tokens
    return pl.pallas_call(
        functools.partial(_tc_body, t),
        grid=(grid,),
        in_specs=[
            pl.BlockSpec((block_tokens, hidden), lambda i: (i, 0)),
            pl.BlockSpec(w2d.shape, lambda i: (0, 0)),
            pl.BlockSpec(b2d.shape, lambda i: (0, 0)),
        ],
        out_specs=[
            pl.BlockSpec((_NUM_GROUPS, block_tokens), lambda i: (0, i)),
            pl.BlockSpec((1, 1), lambda i: (0, 0)),
        ],
        out_shape=[
            jax.ShapeDtypeStruct((_NUM_GROUPS, t), jnp.int32),
            jax.ShapeDtypeStruct((1, 1), jnp.float32),
        ],
        scratch_shapes=[
            pltpu.VMEM((hidden, _NUM_VARS), jnp.bfloat16),
            pltpu.VMEM((hidden, _NUM_VARS), jnp.bfloat16),
            pltpu.VMEM((_NUM_GROUPS, _NUM_VARS), jnp.float32),
        ],
    )(hs2d, w2d, b2d)


def _sc_gather(table, idx, t):
    d = table.shape[1]
    w_per_g = _SC_WORKERS // _NUM_GROUPS
    tok_per_w = t // w_per_g
    mesh = plsc.VectorSubcoreMesh(core_axis_name="c", subcore_axis_name="s",
                                  num_cores=_SC_CORES)

    half = tok_per_w // 2

    @functools.partial(
        pl.kernel,
        mesh=mesh,
        out_type=jax.ShapeDtypeStruct((t, _NUM_GROUPS * d), jnp.float32),
        scratch_types=[
            pltpu.VMEM((half,), jnp.int32),
            pltpu.VMEM((half,), jnp.int32),
            pltpu.VMEM((half, d), jnp.float32),
            pltpu.VMEM((half, d), jnp.float32),
            pltpu.SemaphoreType.DMA,
            pltpu.SemaphoreType.DMA,
            pltpu.SemaphoreType.DMA,
            pltpu.SemaphoreType.DMA,
        ],
    )
    def k(table_hbm, idx_hbm, out_hbm, idx_a, idx_b, rows_a, rows_b,
          sa, sb, so_a, so_b):
        wid = lax.axis_index("s") * _SC_CORES + lax.axis_index("c")
        group = wid // w_per_g
        tok0 = (wid % w_per_g) * tok_per_w
        col = group * d
        pltpu.sync_copy(idx_hbm.at[group, pl.ds(tok0, half)], idx_a)
        ga = pltpu.async_copy(table_hbm.at[idx_a], rows_a, sa)
        pltpu.sync_copy(idx_hbm.at[group, pl.ds(tok0 + half, half)], idx_b)
        gb = pltpu.async_copy(table_hbm.at[idx_b], rows_b, sb)
        ga.wait()
        oa = pltpu.async_copy(
            rows_a, out_hbm.at[pl.ds(tok0, half), pl.ds(col, d)], so_a)
        gb.wait()
        ob = pltpu.async_copy(
            rows_b, out_hbm.at[pl.ds(tok0 + half, half), pl.ds(col, d)], so_b)
        oa.wait()
        ob.wait()

    return k(table, idx)


def kernel(hidden_states, W, b, codevectors):
    batch, seq, hidden = hidden_states.shape
    t = batch * seq
    hs2d = hidden_states.reshape(t, hidden)
    b2d = b.reshape(1, _NUM_GROUPS * _NUM_VARS)

    idx_gm, plex = _tc_quantize(hs2d, W, b2d)

    table = codevectors.reshape(codevectors.shape[1], codevectors.shape[2])
    cv = _sc_gather(table, idx_gm, t)
    return cv.reshape(batch, seq, _NUM_GROUPS * table.shape[1]), plex[0, 0]

# --- scband reference (transcript-rebuilt; emitter-appended) ---
"""Pipeline reference for scband-uni-speech-sat-gumbel-vector-quantizer-5403068859148 (READ-ONLY COPY).

The authoritative reference and input builder live on the scoring server;
editing this copy changes nothing except your own understanding.
"""

import jax, jax.numpy as jnp
import numpy as np

NUM_GROUPS = 2
NUM_VARS = 320
CODEVECTOR_DIM = 256
HIDDEN_SIZE = 768
BATCH = 1
SEQ = 2048


def setup_inputs(seed: int = 0) -> dict:
    key = jax.random.key(seed)
    k1, k2, k3 = jax.random.split(key, 3)
    hidden_states = jax.random.normal(k1, (BATCH, SEQ, HIDDEN_SIZE), dtype=jnp.float32)
    # weight_proj: Linear(hidden_size -> num_groups * num_vars)
    W = jax.random.normal(k2, (HIDDEN_SIZE, NUM_GROUPS * NUM_VARS), dtype=jnp.float32) * 0.02
    b = jnp.zeros((NUM_GROUPS * NUM_VARS,), dtype=jnp.float32)
    # codevectors: (1, num_groups * num_vars, codevector_dim // num_groups)
    codevectors = jax.random.normal(k3, (1, NUM_GROUPS * NUM_VARS, CODEVECTOR_DIM // NUM_GROUPS), dtype=jnp.float32)
    return {"hidden_states": hidden_states, "W": W, "b": b, "codevectors": codevectors}


def reference(hidden_states, W, b, codevectors):
    # eval-mode (self.training == False) path: deterministic argmax + hard one-hot
    batch_size, sequence_length, hidden_size = hidden_states.shape
    h = hidden_states @ W + b  # [B, S, G*V]
    h = h.reshape(batch_size * sequence_length * NUM_GROUPS, -1)  # [B*S*G, V]
    codevector_idx = jnp.argmax(h, axis=-1)  # [B*S*G]
    # scatter_(-1, idx, 1.0) on zeros == one-hot
    codevector_probs = jax.nn.one_hot(codevector_idx, NUM_VARS, dtype=h.dtype)  # [B*S*G, V]
    probs_g = codevector_probs.reshape(batch_size * sequence_length, NUM_GROUPS, -1)
    # perplexity
    marginal_probs = probs_g.mean(axis=0)  # [G, V]
    perplexity = jnp.exp(-jnp.sum(marginal_probs * jnp.log(marginal_probs + 1e-07), axis=-1)).sum()
    # codevector lookup via weighted sum (faithful to torch broadcast-multiply)
    cp = probs_g.reshape(batch_size * sequence_length, -1)  # [B*S, G*V]
    codevectors_per_group = cp[:, :, None] * codevectors  # [B*S, G*V, D/G]
    cv = codevectors_per_group.reshape(batch_size * sequence_length, NUM_GROUPS, NUM_VARS, -1)
    cv = cv.sum(-2).reshape(batch_size, sequence_length, -1)  # [B, S, D]
    return (cv, perplexity)

if __name__ == "__main__":
    import jax
    _d = setup_inputs()
    print(jax.jit(kernel)(*tuple(_d.values())))

</pallas_src>

<mosaic_0001>
#map = affine_map<(d0, d1) -> (0, 0)>
module attributes {stable_mosaic.version = 14 : i64} {
  func.func @k(%arg0: i32, %arg1: i32, %arg2: memref<640x128xf32, #tpu.memory_space<hbm>>, %arg3: memref<2x2048xi32, #tpu.memory_space<hbm>>, %arg4: memref<2048x256xf32, #tpu.memory_space<hbm>>, %arg5: memref<128xi32, #tpu.memory_space<vmem>>, %arg6: memref<128xi32, #tpu.memory_space<vmem>>, %arg7: memref<128x128xf32, #tpu.memory_space<vmem>>, %arg8: memref<128x128xf32, #tpu.memory_space<vmem>>, %arg9: memref<!tpu.dma_semaphore, #tpu.memory_space<semaphore_mem>>, %arg10: memref<!tpu.dma_semaphore, #tpu.memory_space<semaphore_mem>>, %arg11: memref<!tpu.dma_semaphore, #tpu.memory_space<semaphore_mem>>, %arg12: memref<!tpu.dma_semaphore, #tpu.memory_space<semaphore_mem>>) attributes {dimension_semantics = [#tpu.dimension_semantics<core_parallel>, #tpu.dimension_semantics<subcore_parallel>], iteration_bounds = array<i64: 1, 16>, scalar_prefetch = 0 : i64, scratch_operands = 8 : i64, tpu.core_type = #tpu.core_type<sc_vector_subcore>, window_params = [{transform_indices = #map}, {transform_indices = #map}, {transform_indices = #map}]} {
    %mul3A = arith.constant 1 : i32
    %mul3A_0 = arith.muli %arg1, %mul3A : i32
    %add3A = arith.addi %mul3A_0, %arg0 : i32
    %jit3A = arith.constant 8 : i32
    %div3A = arith.divsi %add3A, %jit3A : i32
    %sign3A = arith.constant 0 : i32
    %sign3A_1 = arith.cmpi sgt, %add3A, %sign3A : i32
    %sign3A_2 = arith.extui %sign3A_1 : i1 to i32
    %sign3A_3 = arith.constant 0 : i32
    %sign3A_4 = arith.cmpi slt, %add3A, %sign3A_3 : i32
    %sign3A_5 = arith.extui %sign3A_4 : i1 to i32
    %sign3A_6 = arith.subi %sign3A_2, %sign3A_5 : i32
    %sign3A_7 = arith.constant 0 : i32
    %sign3A_8 = arith.cmpi sgt, %jit3A, %sign3A_7 : i32
    %sign3A_9 = arith.extui %sign3A_8 : i1 to i32
    %sign3A_10 = arith.constant 0 : i32
    %sign3A_11 = arith.cmpi slt, %jit3A, %sign3A_10 : i32
    %sign3A_12 = arith.extui %sign3A_11 : i1 to i32
    %sign3A_13 = arith.subi %sign3A_9, %sign3A_12 : i32
    %ne3A = arith.cmpi ne, %sign3A_6, %sign3A_13 : i32
    %rem3A = arith.remsi %add3A, %jit3A : i32
    %ne3A_14 = arith.constant 0 : i32
    %ne3A_15 = arith.cmpi ne, %rem3A, %ne3A_14 : i32
    %and3A = arith.andi %ne3A, %ne3A_15 : i1
    %sub3A = arith.constant 1 : i32
    %sub3A_16 = arith.subi %div3A, %sub3A : i32
    %select_n3A = arith.select %and3A, %sub3A_16, %div3A : i32
    %jit3A_17 = arith.constant 8 : i32
    %eq3A = arith.constant 0 : i32
    %eq3A_18 = arith.cmpi eq, %jit3A_17, %eq3A : i32
    %jit3A_19 = arith.constant 1 : i32
    %select_n3A_20 = arith.select %eq3A_18, %jit3A_19, %jit3A_17 : i32
    %rem3A_21 = arith.remsi %add3A, %select_n3A_20 : i32
    %ne3A_22 = arith.constant 0 : i32
    %ne3A_23 = arith.cmpi ne, %rem3A_21, %ne3A_22 : i32
    %lt3A = arith.constant 0 : i32
    %lt3A_24 = arith.cmpi slt, %rem3A_21, %lt3A : i32
    %lt3A_25 = arith.constant 0 : i32
    %lt3A_26 = arith.cmpi slt, %select_n3A_20, %lt3A_25 : i32
    %ne3A_27 = arith.xori %lt3A_24, %lt3A_26 : i1
    %and3A_28 = arith.andi %ne3A_27, %ne3A_23 : i1
    %add3A_29 = arith.addi %rem3A_21, %select_n3A_20 : i32
    %select_n3A_30 = arith.select %and3A_28, %add3A_29, %rem3A_21 : i32
    %mul3A_31 = arith.constant 256 : i32
    %mul3A_32 = arith.muli %select_n3A_30, %mul3A_31 : i32
    %mul3A_33 = arith.constant 128 : i32
    %mul3A_34 = arith.muli %select_n3A, %mul3A_33 : i32
    "tpu.region"() ({
      %run_scoped3A = tpu.sem_alloc : memref<!tpu.dma_semaphore, #tpu.memory_space<semaphore_mem>>
      %dma_start3A_57 = tpu.memref_slice %arg3[%select_n3A, %mul3A_32] : memref<2x2048xi32, #tpu.memory_space<hbm>> -> memref<1x128xi32, #tpu.memory_space<hbm>>
      %dma_start3A_58 = tpu.memref_squeeze %dma_start3A_57 : memref<1x128xi32, #tpu.memory_space<hbm>> -> memref<128xi32, #tpu.memory_space<hbm>>
      %dma_start3A_59 = tpu.memref_slice %arg3[%select_n3A, %mul3A_32] : memref<2x2048xi32, #tpu.memory_space<hbm>> -> memref<1x128xi32, #tpu.memory_space<hbm>>
      %dma_start3A_60 = tpu.memref_squeeze %dma_start3A_59 : memref<1x128xi32, #tpu.memory_space<hbm>> -> memref<128xi32, #tpu.memory_space<hbm>>
      tpu.enqueue_dma source(%dma_start3A_60 : memref<128xi32, #tpu.memory_space<hbm>>) target(%arg5 : memref<128xi32, #tpu.memory_space<vmem>>) target_semaphore(%run_scoped3A : memref<!tpu.dma_semaphore, #tpu.memory_space<semaphore_mem>>)
      %dma_wait3A_61 = tpu.memref_slice %arg3[%select_n3A, %mul3A_32] : memref<2x2048xi32, #tpu.memory_space<hbm>> -> memref<1x128xi32, #tpu.memory_space<hbm>>
      %dma_wait3A_62 = tpu.memref_squeeze %dma_wait3A_61 : memref<1x128xi32, #tpu.memory_space<hbm>> -> memref<128xi32, #tpu.memory_space<hbm>>
      %dma_wait3A_63 = tpu.memref_slice %arg3[%select_n3A, %mul3A_32] : memref<2x2048xi32, #tpu.memory_space<hbm>> -> memref<1x128xi32, #tpu.memory_space<hbm>>
      %dma_wait3A_64 = tpu.memref_squeeze %dma_wait3A_63 : memref<1x128xi32, #tpu.memory_space<hbm>> -> memref<128xi32, #tpu.memory_space<hbm>>
      tpu.wait_dma2 semaphore(%run_scoped3A : memref<!tpu.dma_semaphore, #tpu.memory_space<semaphore_mem>>) src(%dma_wait3A_64 : memref<128xi32, #tpu.memory_space<hbm>>) dst(%arg5 : memref<128xi32, #tpu.memory_space<vmem>>)
      tpu.yield
    }) : () -> ()
    %dma_start3A = arith.constant 0 : i32
    %dma_start3A_35 = arith.constant 0 : i32
    %dma_start3A_36 = tpu.memref_slice %arg2[%dma_start3A, %dma_start3A_35] : memref<640x128xf32, #tpu.memory_space<hbm>> -> memref<640x128xf32, #tpu.memory_space<hbm>>
    tpu.enqueue_indirect_dma source(%dma_start3A_36 : memref<640x128xf32, #tpu.memory_space<hbm>>) target(%arg7 : memref<128x128xf32, #tpu.memory_space<vmem>>) offsets(%arg5 : memref<128xi32, #tpu.memory_space<vmem>>) semaphore(%arg9 : memref<!tpu.dma_semaphore, #tpu.memory_space<semaphore_mem>>)
    %add3A_37 = arith.constant 128 : i32
    %add3A_38 = arith.addi %mul3A_32, %add3A_37 : i32
    "tpu.region"() ({
      %run_scoped3A = tpu.sem_alloc : memref<!tpu.dma_semaphore, #tpu.memory_space<semaphore_mem>>
      %dma_start3A_57 = tpu.memref_slice %arg3[%select_n3A, %add3A_38] : memref<2x2048xi32, #tpu.memory_space<hbm>> -> memref<1x128xi32, #tpu.memory_space<hbm>>
      %dma_start3A_58 = tpu.memref_squeeze %dma_start3A_57 : memref<1x128xi32, #tpu.memory_space<hbm>> -> memref<128xi32, #tpu.memory_space<hbm>>
      %dma_start3A_59 = tpu.memref_slice %arg3[%select_n3A, %add3A_38] : memref<2x2048xi32, #tpu.memory_space<hbm>> -> memref<1x128xi32, #tpu.memory_space<hbm>>
      %dma_start3A_60 = tpu.memref_squeeze %dma_start3A_59 : memref<1x128xi32, #tpu.memory_space<hbm>> -> memref<128xi32, #tpu.memory_space<hbm>>
      tpu.enqueue_dma source(%dma_start3A_60 : memref<128xi32, #tpu.memory_space<hbm>>) target(%arg6 : memref<128xi32, #tpu.memory_space<vmem>>) target_semaphore(%run_scoped3A : memref<!tpu.dma_semaphore, #tpu.memory_space<semaphore_mem>>)
      %dma_wait3A_61 = tpu.memref_slice %arg3[%select_n3A, %add3A_38] : memref<2x2048xi32, #tpu.memory_space<hbm>> -> memref<1x128xi32, #tpu.memory_space<hbm>>
      %dma_wait3A_62 = tpu.memref_squeeze %dma_wait3A_61 : memref<1x128xi32, #tpu.memory_space<hbm>> -> memref<128xi32, #tpu.memory_space<hbm>>
      %dma_wait3A_63 = tpu.memref_slice %arg3[%select_n3A, %add3A_38] : memref<2x2048xi32, #tpu.memory_space<hbm>> -> memref<1x128xi32, #tpu.memory_space<hbm>>
      %dma_wait3A_64 = tpu.memref_squeeze %dma_wait3A_63 : memref<1x128xi32, #tpu.memory_space<hbm>> -> memref<128xi32, #tpu.memory_space<hbm>>
      tpu.wait_dma2 semaphore(%run_scoped3A : memref<!tpu.dma_semaphore, #tpu.memory_space<semaphore_mem>>) src(%dma_wait3A_64 : memref<128xi32, #tpu.memory_space<hbm>>) dst(%arg6 : memref<128xi32, #tpu.memory_space<vmem>>)
      tpu.yield
    }) : () -> ()
    %dma_start3A_39 = arith.constant 0 : i32
    %dma_start3A_40 = arith.constant 0 : i32
    %dma_start3A_41 = tpu.memref_slice %arg2[%dma_start3A_39, %dma_start3A_40] : memref<640x128xf32, #tpu.memory_space<hbm>> -> memref<640x128xf32, #tpu.memory_space<hbm>>
    tpu.enqueue_indirect_dma source(%dma_start3A_41 : memref<640x128xf32, #tpu.memory_space<hbm>>) target(%arg8 : memref<128x128xf32, #tpu.memory_space<vmem>>) offsets(%arg6 : memref<128xi32, #tpu.memory_space<vmem>>) semaphore(%arg10 : memref<!tpu.dma_semaphore, #tpu.memory_space<semaphore_mem>>)
    %dma_wait3A = arith.constant 0 : i32
    %dma_wait3A_42 = arith.constant 0 : i32
    %dma_wait3A_43 = tpu.memref_slice %arg2[%dma_wait3A, %dma_wait3A_42] : memref<640x128xf32, #tpu.memory_space<hbm>> -> memref<640x128xf32, #tpu.memory_space<hbm>>
    tpu.wait_indirect_dma semaphore(%arg9 : memref<!tpu.dma_semaphore, #tpu.memory_space<semaphore_mem>>) src(%dma_wait3A_43 : memref<640x128xf32, #tpu.memory_space<hbm>>) dst(%arg7 : memref<128x128xf32, #tpu.memory_space<vmem>>)
    %dma_start3A_44 = tpu.memref_slice %arg4[%mul3A_32, %mul3A_34] : memref<2048x256xf32, #tpu.memory_space<hbm>> -> memref<128x128xf32, #tpu.memory_space<hbm>>
    %dma_start3A_45 = tpu.memref_slice %arg4[%mul3A_32, %mul3A_34] : memref<2048x256xf32, #tpu.memory_space<hbm>> -> memref<128x128xf32, #tpu.memory_space<hbm>>
    tpu.enqueue_dma source(%arg7 : memref<128x128xf32, #tpu.memory_space<vmem>>) target(%dma_start3A_45 : memref<128x128xf32, #tpu.memory_space<hbm>>) target_semaphore(%arg11 : memref<!tpu.dma_semaphore, #tpu.memory_space<semaphore_mem>>)
    %dma_wait3A_46 = arith.constant 0 : i32
    %dma_wait3A_47 = arith.constant 0 : i32
    %dma_wait3A_48 = tpu.memref_slice %arg2[%dma_wait3A_46, %dma_wait3A_47] : memref<640x128xf32, #tpu.memory_space<hbm>> -> memref<640x128xf32, #tpu.memory_space<hbm>>
    tpu.wait_indirect_dma semaphore(%arg10 : memref<!tpu.dma_semaphore, #tpu.memory_space<semaphore_mem>>) src(%dma_wait3A_48 : memref<640x128xf32, #tpu.memory_space<hbm>>) dst(%arg8 : memref<128x128xf32, #tpu.memory_space<vmem>>)
    %add3A_49 = arith.constant 128 : i32
    %add3A_50 = arith.addi %mul3A_32, %add3A_49 : i32
    %dma_start3A_51 = tpu.memref_slice %arg4[%add3A_50, %mul3A_34] : memref<2048x256xf32, #tpu.memory_space<hbm>> -> memref<128x128xf32, #tpu.memory_space<hbm>>
    %dma_start3A_52 = tpu.memref_slice %arg4[%add3A_50, %mul3A_34] : memref<2048x256xf32, #tpu.memory_space<hbm>> -> memref<128x128xf32, #tpu.memory_space<hbm>>
    tpu.enqueue_dma source(%arg8 : memref<128x128xf32, #tpu.memory_space<vmem>>) target(%dma_start3A_52 : memref<128x128xf32, #tpu.memory_space<hbm>>) target_semaphore(%arg12 : memref<!tpu.dma_semaphore, #tpu.memory_space<semaphore_mem>>)
    %dma_wait3A_53 = tpu.memref_slice %arg4[%mul3A_32, %mul3A_34] : memref<2048x256xf32, #tpu.memory_space<hbm>> -> memref<128x128xf32, #tpu.memory_space<hbm>>
    %dma_wait3A_54 = tpu.memref_slice %arg4[%mul3A_32, %mul3A_34] : memref<2048x256xf32, #tpu.memory_space<hbm>> -> memref<128x128xf32, #tpu.memory_space<hbm>>
    tpu.wait_dma2 semaphore(%arg11 : memref<!tpu.dma_semaphore, #tpu.memory_space<semaphore_mem>>) src(%arg7 : memref<128x128xf32, #tpu.memory_space<vmem>>) dst(%dma_wait3A_54 : memref<128x128xf32, #tpu.memory_space<hbm>>)
    %dma_wait3A_55 = tpu.memref_slice %arg4[%add3A_50, %mul3A_34] : memref<2048x256xf32, #tpu.memory_space<hbm>> -> memref<128x128xf32, #tpu.memory_space<hbm>>
    %dma_wait3A_56 = tpu.memref_slice %arg4[%add3A_50, %mul3A_34] : memref<2048x256xf32, #tpu.memory_space<hbm>> -> memref<128x128xf32, #tpu.memory_space<hbm>>
    tpu.wait_dma2 semaphore(%arg12 : memref<!tpu.dma_semaphore, #tpu.memory_space<semaphore_mem>>) src(%arg8 : memref<128x128xf32, #tpu.memory_space<vmem>>) dst(%dma_wait3A_56 : memref<128x128xf32, #tpu.memory_space<hbm>>)
    return
  }
}

module attributes {stable_mosaic.version = 14 : i64} {
  func.func @_tc_body(%arg0: i32, %arg1: memref<512x768xf32, #tpu.memory_space<vmem>>, %arg2: memref<768x640xf32, #tpu.memory_space<vmem>>, %arg3: memref<1x640xf32, #tpu.memory_space<vmem>>, %arg4: memref<2x512xi32, #tpu.memory_space<vmem>>, %arg5: memref<1x1xf32, #tpu.memory_space<vmem>>, %arg6: memref<768x320xbf16, #tpu.memory_space<vmem>>, %arg7: memref<768x320xbf16, #tpu.memory_space<vmem>>, %arg8: memref<2x320xf32, #tpu.memory_space<vmem>>) attributes {dimension_semantics = [#tpu.dimension_semantics<arbitrary>], iteration_bounds = array<i64: 4>, scalar_prefetch = 0 : i64, scratch_operands = 3 : i64, tpu.core_type = #tpu.core_type<tc>, window_params = [{transform_indices = @transform_0, window_bounds = array<i64: 512, 768>}, {pipeline_mode = #tpu.pipeline_mode<synchronous>, transform_indices = @transform_1, window_bounds = array<i64: 768, 640>}, {pipeline_mode = #tpu.pipeline_mode<synchronous>, transform_indices = @transform_2, window_bounds = array<i64: 1, 640>}, {transform_indices = @transform_3, window_bounds = array<i64: 2, 512>}, {pipeline_mode = #tpu.pipeline_mode<synchronous>, transform_indices = @transform_4, window_bounds = array<i64: 1, 1>}]} {
    %eq3A = arith.constant 0 : i32
    %eq3A_0 = arith.cmpi eq, %arg0, %eq3A : i32
    %convert_element_type3A = arith.extui %eq3A_0 : i1 to i32
    %cond3A = arith.constant 0 : i32
    %cond3A_1 = arith.cmpi ne, %convert_element_type3A, %cond3A : i32
    scf.if %cond3A_1 {
      %get3A_86 = arith.constant 0 : index
      %get3A_87 = arith.constant 0 : index
      %get3A_88 = vector.load %arg2[%get3A_86, %get3A_87] : memref<768x640xf32, #tpu.memory_space<vmem>>, vector<768x320xf32>
      %convert_element_type3A_89 = arith.truncf %get3A_88 : vector<768x320xf32> to vector<768x320xbf16>
      %swap3A_90 = arith.constant 0 : index
      %swap3A_91 = arith.constant 0 : index
      %swap3A_92 = vector.load %arg6[%swap3A_90, %swap3A_91] : memref<768x320xbf16, #tpu.memory_space<vmem>>, vector<768x320xbf16>
      tpu.vector_store %arg6[%swap3A_90, %swap3A_91], %convert_element_type3A_89 {strides = array<i32>} : memref<768x320xbf16, #tpu.memory_space<vmem>>, vector<768x320xbf16>,
      %get3A_93 = arith.constant 0 : index
      %get3A_94 = arith.constant 320 : index
      %get3A_95 = vector.load %arg2[%get3A_93, %get3A_94] : memref<768x640xf32, #tpu.memory_space<vmem>>, vector<768x320xf32>
      %convert_element_type3A_96 = arith.truncf %get3A_95 : vector<768x320xf32> to vector<768x320xbf16>
      %swap3A_97 = arith.constant 0 : index
      %swap3A_98 = arith.constant 0 : index
      %swap3A_99 = vector.load %arg7[%swap3A_97, %swap3A_98] : memref<768x320xbf16, #tpu.memory_space<vmem>>, vector<768x320xbf16>
      tpu.vector_store %arg7[%swap3A_97, %swap3A_98], %convert_element_type3A_96 {strides = array<i32>} : memref<768x320xbf16, #tpu.memory_space<vmem>>, vector<768x320xbf16>,
      %broadcast_in_dim3A_100 = arith.constant 0.000000e+00 : f32
      %broadcast_in_dim3A_101 = vector.broadcast %broadcast_in_dim3A_100 : f32 to vector<2x320xf32>
      %swap3A_102 = arith.constant 0 : index
      %swap3A_103 = arith.constant 0 : index
      %swap3A_104 = vector.load %arg8[%swap3A_102, %swap3A_103] : memref<2x320xf32, #tpu.memory_space<vmem>>, vector<2x320xf32>
      tpu.vector_store %arg8[%swap3A_102, %swap3A_103], %broadcast_in_dim3A_101 {strides = array<i32>} : memref<2x320xf32, #tpu.memory_space<vmem>>, vector<2x320xf32>,
    } else {
    }
    %get3A = arith.constant 0 : index
    %get3A_2 = arith.constant 0 : index
    %get3A_3 = vector.load %arg1[%get3A, %get3A_2] : memref<512x768xf32, #tpu.memory_space<vmem>>, vector<512x768xf32>
    %convert_element_type3A_4 = arith.truncf %get3A_3 : vector<512x768xf32> to vector<512x768xbf16>
    %get3A_5 = arith.constant 0 : index
    %get3A_6 = arith.constant 0 : index
    %get3A_7 = vector.load %arg6[%get3A_5, %get3A_6] : memref<768x320xbf16, #tpu.memory_space<vmem>>, vector<768x320xbf16>
    %dot_general3A = arith.constant dense<0.000000e+00> : vector<512x320xf32>
    %dot_general3A_8 = tpu.matmul %convert_element_type3A_4, %get3A_7, %dot_general3A {dimension_numbers = #tpu.dot_dimension_numbers<[1], [0], [0], [1], [0, 0, 1, 1], [], []>, transpose_lhs_hint = false} : vector<512x768xbf16>, vector<768x320xbf16>, vector<512x320xf32> -> vector<512x320xf32>
    %get3A_9 = arith.constant 0 : index
    %get3A_10 = arith.constant 0 : index
    %get3A_11 = vector.load %arg3[%get3A_9, %get3A_10] : memref<1x640xf32, #tpu.memory_space<vmem>>, vector<1x320xf32>
    %add3A = vector.broadcast %get3A_11 : vector<1x320xf32> to vector<512x320xf32>
    %add3A_12 = arith.addf %dot_general3A_8, %add3A : vector<512x320xf32>
    %get3A_13 = arith.constant 0 : index
    %get3A_14 = arith.constant 0 : index
    %get3A_15 = vector.load %arg7[%get3A_13, %get3A_14] : memref<768x320xbf16, #tpu.memory_space<vmem>>, vector<768x320xbf16>
    %dot_general3A_16 = arith.constant dense<0.000000e+00> : vector<512x320xf32>
    %dot_general3A_17 = tpu.matmul %convert_element_type3A_4, %get3A_15, %dot_general3A_16 {dimension_numbers = #tpu.dot_dimension_numbers<[1], [0], [0], [1], [0, 0, 1, 1], [], []>, transpose_lhs_hint = false} : vector<512x768xbf16>, vector<768x320xbf16>, vector<512x320xf32> -> vector<512x320xf32>
    %get3A_18 = arith.constant 0 : index
    %get3A_19 = arith.constant 320 : index
    %get3A_20 = vector.load %arg3[%get3A_18, %get3A_19] : memref<1x640xf32, #tpu.memory_space<vmem>>, vector<1x320xf32>
    %add3A_21 = vector.broadcast %get3A_20 : vector<1x320xf32> to vector<512x320xf32>
    %add3A_22 = arith.addf %dot_general3A_17, %add3A_21 : vector<512x320xf32>
    %reduce_max3A = arith.constant dense<0xFF800000> : vector<512xf32>
    %reduce_max3A_23 = vector.multi_reduction <maximumf>, %add3A_12, %reduce_max3A [1] : vector<512x320xf32> to vector<512xf32>
    %broadcast_in_dim3A = vector.shape_cast %reduce_max3A_23 : vector<512xf32> to vector<512x1xf32>
    %iota3A = tpu.iota {dimensions = array<i32: 1>} : vector<512x320xi32>
    %eq3A_24 = vector.broadcast %broadcast_in_dim3A : vector<512x1xf32> to vector<512x320xf32>
    %eq3A_25 = arith.cmpf oeq, %add3A_12, %eq3A_24 : vector<512x320xf32>
    %jit3A = arith.constant 320 : i32
    %broadcast_in_dim3A_26 = vector.broadcast %jit3A : i32 to vector<512x320xi32>
    %select_n3A = arith.select %eq3A_25, %iota3A, %broadcast_in_dim3A_26 : vector<512x320xi1>, vector<512x320xi32>
    %reduce_min3A = arith.constant dense<2147483647> : vector<512xi32>
    %reduce_min3A_27 = vector.multi_reduction <minsi>, %select_n3A, %reduce_min3A [1] : vector<512x320xi32> to vector<512xi32>
    %broadcast_in_dim3A_28 = vector.shape_cast %reduce_min3A_27 : vector<512xi32> to vector<512x1xi32>
    %reduce_max3A_29 = arith.constant dense<0xFF800000> : vector<512xf32>
    %reduce_max3A_30 = vector.multi_reduction <maximumf>, %add3A_22, %reduce_max3A_29 [1] : vector<512x320xf32> to vector<512xf32>
    %broadcast_in_dim3A_31 = vector.shape_cast %reduce_max3A_30 : vector<512xf32> to vector<512x1xf32>
    %iota3A_32 = tpu.iota {dimensions = array<i32: 1>} : vector<512x320xi32>
    %eq3A_33 = vector.broadcast %broadcast_in_dim3A_31 : vector<512x1xf32> to vector<512x320xf32>
    %eq3A_34 = arith.cmpf oeq, %add3A_22, %eq3A_33 : vector<512x320xf32>
    %jit3A_35 = arith.constant 320 : i32
    %broadcast_in_dim3A_36 = vector.broadcast %jit3A_35 : i32 to vector<512x320xi32>
    %select_n3A_37 = arith.select %eq3A_34, %iota3A_32, %broadcast_in_dim3A_36 : vector<512x320xi1>, vector<512x320xi32>
    %reduce_min3A_38 = arith.constant dense<2147483647> : vector<512xi32>
    %reduce_min3A_39 = vector.multi_reduction <minsi>, %select_n3A_37, %reduce_min3A_38 [1] : vector<512x320xi32> to vector<512xi32>
    %broadcast_in_dim3A_40 = vector.shape_cast %reduce_min3A_39 : vector<512xi32> to vector<512x1xi32>
    %reshape3A = vector.shape_cast %broadcast_in_dim3A_28 : vector<512x1xi32> to vector<1x512xi32>
    %reshape3A_41 = vector.shape_cast %broadcast_in_dim3A_40 : vector<512x1xi32> to vector<1x512xi32>
    %add3A_42 = arith.constant 320 : i32
    %add3A_43 = vector.broadcast %add3A_42 : i32 to vector<1x512xi32>
    %add3A_44 = arith.addi %reshape3A_41, %add3A_43 : vector<1x512xi32>
    %concatenate3A = tpu.concatenate %reshape3A, %add3A_44 in 0 : vector<1x512xi32>, vector<1x512xi32> -> vector<2x512xi32>
    %swap3A = arith.constant 0 : index
    %swap3A_45 = arith.constant 0 : index
    %swap3A_46 = vector.load %arg4[%swap3A, %swap3A_45] : memref<2x512xi32, #tpu.memory_space<vmem>>, vector<2x512xi32>
    tpu.vector_store %arg4[%swap3A, %swap3A_45], %concatenate3A {strides = array<i32>} : memref<2x512xi32, #tpu.memory_space<vmem>>, vector<2x512xi32>,
    %iota3A_47 = tpu.iota {dimensions = array<i32: 1>} : vector<512x320xi32>
    %eq3A_48 = vector.broadcast %broadcast_in_dim3A_28 : vector<512x1xi32> to vector<512x320xi32>
    %eq3A_49 = arith.cmpi eq, %iota3A_47, %eq3A_48 : vector<512x320xi32>
    %jit3A_50 = arith.constant 1.000000e+00 : f32
    %jit3A_51 = arith.constant 0.000000e+00 : f32
    %broadcast_in_dim3A_52 = vector.broadcast %jit3A_50 : f32 to vector<512x320xf32>
    %broadcast_in_dim3A_53 = vector.broadcast %jit3A_51 : f32 to vector<512x320xf32>
    %select_n3A_54 = arith.select %eq3A_49, %broadcast_in_dim3A_52, %broadcast_in_dim3A_53 : vector<512x320xi1>, vector<512x320xf32>
    %reduce_sum3A = arith.constant dense<0.000000e+00> : vector<320xf32>
    %reduce_sum3A_55 = vector.multi_reduction <add>, %select_n3A_54, %reduce_sum3A [0] : vector<512x320xf32> to vector<320xf32>
    %broadcast_in_dim3A_56 = vector.shape_cast %reduce_sum3A_55 : vector<320xf32> to vector<1x320xf32>
    %eq3A_57 = vector.broadcast %broadcast_in_dim3A_40 : vector<512x1xi32> to vector<512x320xi32>
    %eq3A_58 = arith.cmpi eq, %iota3A_47, %eq3A_57 : vector<512x320xi32>
    %jit3A_59 = arith.constant 1.000000e+00 : f32
    %jit3A_60 = arith.constant 0.000000e+00 : f32
    %broadcast_in_dim3A_61 = vector.broadcast %jit3A_59 : f32 to vector<512x320xf32>
    %broadcast_in_dim3A_62 = vector.broadcast %jit3A_60 : f32 to vector<512x320xf32>
    %select_n3A_63 = arith.select %eq3A_58, %broadcast_in_dim3A_61, %broadcast_in_dim3A_62 : vector<512x320xi1>, vector<512x320xf32>
    %reduce_sum3A_64 = arith.constant dense<0.000000e+00> : vector<320xf32>
    %reduce_sum3A_65 = vector.multi_reduction <add>, %select_n3A_63, %reduce_sum3A_64 [0] : vector<512x320xf32> to vector<320xf32>
    %broadcast_in_dim3A_66 = vector.shape_cast %reduce_sum3A_65 : vector<320xf32> to vector<1x320xf32>
    %get3A_67 = arith.constant 0 : index
    %get3A_68 = arith.constant 0 : index
    %get3A_69 = vector.load %arg8[%get3A_67, %get3A_68] : memref<2x320xf32, #tpu.memory_space<vmem>>, vector<1x320xf32>
    %add3A_70 = arith.addf %get3A_69, %broadcast_in_dim3A_56 : vector<1x320xf32>
    %swap3A_71 = arith.constant 0 : index
    %swap3A_72 = arith.constant 0 : index
    %swap3A_73 = vector.load %arg8[%swap3A_71, %swap3A_72] : memref<2x320xf32, #tpu.memory_space<vmem>>, vector<1x320xf32>
    tpu.vector_store %arg8[%swap3A_71, %swap3A_72], %add3A_70 {strides = array<i32>} : memref<2x320xf32, #tpu.memory_space<vmem>>, vector<1x320xf32>,
    %get3A_74 = arith.constant 1 : index
    %get3A_75 = arith.constant 0 : index
    %get3A_76 = vector.load %arg8[%get3A_74, %get3A_75] : memref<2x320xf32, #tpu.memory_space<vmem>>, vector<1x320xf32>
    %add3A_77 = arith.addf %get3A_76, %broadcast_in_dim3A_66 : vector<1x320xf32>
    %swap3A_78 = arith.constant 1 : index
    %swap3A_79 = arith.constant 0 : index
    %swap3A_80 = vector.load %arg8[%swap3A_78, %swap3A_79] : memref<2x320xf32, #tpu.memory_space<vmem>>, vector<1x320xf32>
    tpu.vector_store %arg8[%swap3A_78, %swap3A_79], %add3A_77 {strides = array<i32>} : memref<2x320xf32, #tpu.memory_space<vmem>>, vector<1x320xf32>,
    %eq3A_81 = arith.constant 3 : i32
    %eq3A_82 = arith.cmpi eq, %arg0, %eq3A_81 : i32
    %convert_element_type3A_83 = arith.extui %eq3A_82 : i1 to i32
    %cond3A_84 = arith.constant 0 : i32
    %cond3A_85 = arith.cmpi ne, %convert_element_type3A_83, %cond3A_84 : i32
    scf.if %cond3A_85 {
      %get3A_86 = arith.constant 0 : index
      %get3A_87 = arith.constant 0 : index
      %get3A_88 = vector.load %arg8[%get3A_86, %get3A_87] : memref<2x320xf32, #tpu.memory_space<vmem>>, vector<2x320xf32>
      %mul3A = arith.constant 4.8828125E-4 : f32
      %mul3A_89 = vector.broadcast %mul3A : f32 to vector<2x320xf32>
      %mul3A_90 = arith.mulf %get3A_88, %mul3A_89 : vector<2x320xf32>
      %add3A_91 = arith.constant 1.000000e-07 : f32
      %add3A_92 = vector.broadcast %add3A_91 : f32 to vector<2x320xf32>
      %add3A_93 = arith.addf %mul3A_90, %add3A_92 : vector<2x320xf32>
      %log3A = math.log %add3A_93 : vector<2x320xf32>
      %mul3A_94 = arith.mulf %mul3A_90, %log3A : vector<2x320xf32>
      %reduce_sum3A_95 = arith.constant dense<0.000000e+00> : vector<2xf32>
      %reduce_sum3A_96 = vector.multi_reduction <add>, %mul3A_94, %reduce_sum3A_95 [1] : vector<2x320xf32> to vector<2xf32>
      %broadcast_in_dim3A_97 = vector.shape_cast %reduce_sum3A_96 : vector<2xf32> to vector<2x1xf32>
      %neg3A = arith.constant 0.000000e+00 : f32
      %neg3A_98 = vector.broadcast %neg3A : f32 to vector<2x1xf32>
      %neg3A_99 = arith.subf %neg3A_98, %broadcast_in_dim3A_97 : vector<2x1xf32>
      %exp3A = math.exp %neg3A_99 : vector<2x1xf32>
      %reduce_sum3A_100 = arith.constant dense<0.000000e+00> : vector<1xf32>
      %reduce_sum3A_101 = vector.multi_reduction <add>, %exp3A, %reduce_sum3A_100 [0] : vector<2x1xf32> to vector<1xf32>
      %broadcast_in_dim3A_102 = vector.shape_cast %reduce_sum3A_101 : vector<1xf32> to vector<1x1xf32>
      %swap3A_103 = arith.constant 0 : index
      %swap3A_104 = arith.constant 0 : index
      %swap3A_105 = vector.load %arg5[%swap3A_103, %swap3A_104] : memref<1x1xf32, #tpu.memory_space<vmem>>, vector<1x1xf32>
      tpu.vector_store %arg5[%swap3A_103, %swap3A_104], %broadcast_in_dim3A_102 {strides = array<i32>} : memref<1x1xf32, #tpu.memory_space<vmem>>, vector<1x1xf32>,
    } else {
    }
    return
  }
  func.func @transform_0(%arg0: i32) -> (i32, i32) {
    %c0_i32 = arith.constant 0 : i32
    %c0_i32_0 = arith.constant 0 : i32
    return %arg0, %c0_i32 : i32, i32
  }
  func.func @transform_1(%arg0: i32) -> (i32, i32) {
    %c0_i32 = arith.constant 0 : i32
    %c0_i32_0 = arith.constant 0 : i32
    %c0_i32_1 = arith.constant 0 : i32
    return %c0_i32, %c0_i32_0 : i32, i32
  }
  func.func @transform_2(%arg0: i32) -> (i32, i32) {
    %c0_i32 = arith.constant 0 : i32
    %c0_i32_0 = arith.constant 0 : i32
    %c0_i32_1 = arith.constant 0 : i32
    return %c0_i32, %c0_i32_0 : i32, i32
  }
  func.func @transform_3(%arg0: i32) -> (i32, i32) {
    %c0_i32 = arith.constant 0 : i32
    %c0_i32_0 = arith.constant 0 : i32
    return %c0_i32, %arg0 : i32, i32
  }
  func.func @transform_4(%arg0: i32) -> (i32, i32) {
    %c0_i32 = arith.constant 0 : i32
    %c0_i32_0 = arith.constant 0 : i32
    %c0_i32_1 = arith.constant 0 : i32
    return %c0_i32, %c0_i32_0 : i32, i32
  }
}

</mosaic_0001>

<sc_bundles>
// kernel: kernel.4.cloned.1.call-start
scs
__scs_entry_jumppad:
0x0: {  	(pc) =	sbr.rel $0x88, $3  }
0x1: {  	(tag) =	ssettag $0x0;
	lr =	simm.s32 $0x1  }
0x2: {  	[smem:$0x3F9D] =	sst lr;
	_ =	strace $0xD0000000  }
0x3: {  	_ = 	snop  }
0x4: {  	_ = 	snop  }
0x5: {  	_ = 	snop  }
0x6: {  	_ = 	snop  }
0x7: {  	_ = 	snop  }
__scs_overlays_trampoline_lowered:
0x8: {  	[smem:$0x3FAC] =	sst s0  }
0x9: {  	[smem:$0x3FAD] =	sst s1  }
0xa: {  	[smem:$0x3FAE] =	sst s2  }
0xb: {  	[smem:$0x3FAF] =	sst s3  }
0xc: {  	[smem:$0x3FB0] =	sst s4  }
0xd: {  	[smem:$0x3FB1] =	sst s5  }
0xe: {  	[smem:$0x3FB2] =	sst s6  }
0xf: {  	[smem:$0x3FB3] =	sst s7  }
0x10: {  	[smem:$0x3FB4] =	sst s8  }
0x11: {  	[smem:$0x3FB5] =	sst s9;
	s0 =	simm.s32 @!p0 $0x0  }
0x12: {  	s1 =	sld [smem:$0x3F9B];
	s0 =	simm.s32 @p0 $0x1  }
0x13: {  	[smem:$0x3FB6] =	sst s0;
	s0 =	simm.s32 @!p1 $0x0  }
0x14: {  	s2 =	sld [smem:$0x3F9A];
	s0 =	simm.s32 @p1 $0x1  }
0x15: {  	[smem:$0x3FB7] =	sst s0;
	s0 =	simm.s32 @!p2 $0x0  }
0x16: {  	s3 =	sld [smem:$0x3FDB];
	s0 =	simm.s32 @p2 $0x1  }
0x17: {  	s4 =	simm.s32 $0x1BF5;
	[smem:$0x3FB9] =	sst s0  }
0x18: {  	s0 =	sld [smem:$0x3F9C];
	_ =	swait.ge [sflag:s4], $0x0  }
0x19: {  	s7 =	sld [smem:$0x3F9D]  }
0x1a: {  	s8 =	sadd.s32 $0xFFFFE003, lr  }
0x1b: {  	s9 =	sadd.s32 $0xFFFFFEF7, lr;
	s5 =	simm.s32 $0xFFFFFFFF;
	p2 =	slt.u32 s8, $0xFFFFF086  }
0x1c: {  	p1 =	slt.u32 s9, $0xF7A;
	s5 =	simm.s32 @!p2 $0x0  }
0x1d: {  	s5 =	simm.s32 @p1 $0x1;
	p0 =	seq.s32 s7, s2  }
0x1e: {  	s7 =	smul.u32 @!p0 $0xF7A, s2;
	p2 =	seq.s32 @!p0 s5, $0x0  }
0x1f: {  	s9 =	smul.u32 $0xF7A, s1;
	s8 =	simm.s32 @!p0 $0x1BF5;
	p2 =	por !p2, p0  }
0x20: {  	[sflag:s8] =	ssyncset.s32 @!p0 $0xFFFFF086;
	s6 =	sadd.s32 @!p0 s3, s7;
	s7 =	simm.s32 @!p0 $0x108  }
0x21: {  	s3 =	sadd.s32 s3, s9;
	s6 =	sadd.s32 @!p0 $0x88, s6;
	s7 =	simm.s32 @p2 $0x1082  }
0x22: {  	[simem:s7], [sflag:s8] =	dma.local @!p0 [hbm:s6], $0xF7A  }
0x23: {  	s9 =	sor.u32 $0xD0000000, s2;
	s6 =	simm.s32 $0x108;
	_ =	swait.ge @!p0 [sflag:s8], $0x0  }
0x24: {  	s3 =	sadd.s32 $0x88, s3;
	s6 =	simm.s32 @!p1 $0x1082;
	[sflag:s4] =	ssyncset.s32 $0xFFFFF086  }
0x25: {  	[simem:s6], [sflag:s4] =	dma.local [hbm:s3], $0xF7A  }
0x26: {  	[smem:$0x3F9D] =	sst s1;
	(tag) =	ssettag s2;
	_ =	strace s9  }
0x27: {  	s1 =	sld [smem:$0x3FAD]  }
0x28: {  	s2 =	sld [smem:$0x3FAE]  }
0x29: {  	s4 =	sld [smem:$0x3FB0]  }
0x2a: {  	p0 =	seq.s32 s5, $0x0;
	s5 =	sld [smem:$0x3FB1]  }
0x2b: {  	s6 =	sld [smem:$0x3FB2]  }
0x2c: {  	s7 =	sld [smem:$0x3FB3]  }
0x2d: {  	s3 =	simm.s32 $0x108;
	s8 =	sld [smem:$0x3FB4]  }
0x2e: {  	s3 =	simm.s32 @!p0 $0x1082;
	s9 =	sld [smem:$0x3FB5]  }
0x2f: {  	lr =	sadd.s32 s0, s3;
	s0 =	sld [smem:$0x3FAC]  }
0x30: {  	s3 =	sld [smem:$0x3FAF]  }
0x31: {  	[smem:$0x3FB8] =	sst s10  }
0x32: {  	s10 =	sld [smem:$0x3FB6];
	_ =	sdelay $0x3  }
0x33: {  	p0 =	seq.s32 s10, $0x1;
	s10 =	sld [smem:$0x3FB8];
	_ =	sdelay $0x3  }
0x34: {  	[smem:$0x3FB8] =	sst s10  }
0x35: {  	s10 =	sld [smem:$0x3FB7];
	_ =	sdelay $0x3  }
0x36: {  	p1 =	seq.s32 s10, $0x1;
	s10 =	sld [smem:$0x3FB8];
	_ =	sdelay $0x3  }
0x37: {  	[smem:$0x3FB8] =	sst s10  }
0x38: {  	s10 =	sld [smem:$0x3FB9]  }
0x39: {  	_ = 	snop;
	(pc) =	sbr.ind lr, $3  }
0x3a: {  	_ = 	snop  }
0x3b: {  	_ = 	snop  }
0x3c: {  	p2 =	seq.s32 s10, $0x1;
	s10 =	sld [smem:$0x3FB8]  }
0x3d: {  	_ =	shalt  }
0x3e: {  	_ =	shalt  }
0x3f: {  	_ =	shalt  }
0x40: {  	_ =	shalt  }
0x41: {  	_ =	shalt  }
0x42: {  	_ =	shalt  }
0x43: {  	_ =	shalt  }
0x44: {  	_ =	shalt  }
0x45: {  	_ =	shalt  }
0x46: {  	_ =	shalt  }
0x47: {  	_ =	shalt  }
0x48: {  	_ =	shalt  }
0x49: {  	_ =	shalt  }
0x4a: {  	_ =	shalt  }
0x4b: {  	_ =	shalt  }
0x4c: {  	_ =	shalt  }
0x4d: {  	_ =	shalt  }
0x4e: {  	_ =	shalt  }
0x4f: {  	_ =	shalt  }
0x50: {  	_ =	shalt  }
0x51: {  	_ =	shalt  }
0x52: {  	_ =	shalt  }
0x53: {  	_ =	shalt  }
0x54: {  	_ =	shalt  }
0x55: {  	_ =	shalt  }
0x56: {  	_ =	shalt  }
0x57: {  	_ =	shalt  }
0x58: {  	_ =	shalt  }
0x59: {  	_ =	shalt  }
0x5a: {  	_ =	shalt  }
0x5b: {  	_ =	shalt  }
0x5c: {  	_ =	shalt  }
0x5d: {  	_ =	shalt  }
0x5e: {  	_ =	shalt  }
0x5f: {  	_ =	shalt  }
0x60: {  	_ =	shalt  }
0x61: {  	_ =	shalt  }
0x62: {  	_ =	shalt  }
0x63: {  	_ =	shalt  }
0x64: {  	_ =	shalt  }
0x65: {  	_ =	shalt  }
0x66: {  	_ =	shalt  }
0x67: {  	_ =	shalt  }
0x68: {  	_ =	shalt  }
0x69: {  	_ =	shalt  }
0x6a: {  	_ =	shalt  }
0x6b: {  	_ =	shalt  }
0x6c: {  	_ =	shalt  }
0x6d: {  	_ =	shalt  }
0x6e: {  	_ =	shalt  }
0x6f: {  	_ =	shalt  }
0x70: {  	_ =	shalt  }
0x71: {  	_ =	shalt  }
0x72: {  	_ =	shalt  }
0x73: {  	_ =	shalt  }
0x74: {  	_ =	shalt  }
0x75: {  	_ =	shalt  }
0x76: {  	_ =	shalt  }
0x77: {  	_ =	shalt  }
0x78: {  	_ =	shalt  }
0x79: {  	_ =	shalt  }
0x7a: {  	_ =	shalt  }
0x7b: {  	_ =	shalt  }
0x7c: {  	_ =	shalt  }
0x7d: {  	_ =	shalt  }
0x7e: {  	_ =	shalt  }
0x7f: {  	_ =	shalt  }
0x80: {  	_ =	shalt  }
0x81: {  	_ =	shalt  }
0x82: {  	_ =	shalt  }
0x83: {  	_ =	shalt  }
0x84: {  	_ =	shalt  }
0x85: {  	_ =	shalt  }
0x86: {  	_ =	shalt  }
0x87: {  	_ =	shalt  }
.Lfunc_end0:
.L_simem_size_0:
called_computation_lowered:
.L_overlay_start_0:
0x88: {  	s0 =	sld [smem:$0x3FD9]  }
0x89: {  	s1 =	sld [smem:$0x3FFE];
	_ =	sdelay $0x3  }
0x8a: {  	s0 =	sadd.s32 s1, s0  }
0x8b: {  	[smem:$0x3FC4] =	sst s0  }
0x8c: {  	_ = 	snop  }
0x8d: {  	s0 =	sld [smem:$0x3FD0];
	_ =	sdelay $0x2  }
0x8e: {  	s2 =	simm.s32 $0xA;
	s3 =	simm.s32 $0x10;
	s13 =	sld [smem:$0x3FC6]  }
0x8f: {  	[smem:s3], [sflag:s2] =	dma.local [hbm:s0], $0x1  }
0x90: {  	_ =	swait.eq [sflag:s2], $0x1  }
0x91: {  	[sflag:s2] =	ssyncset.done $0x0  }
0x92: {  	[sflag:s2] =	ssyncadd.s32 $0xFFFFFFFF  }
0x93: {  	s14 =	sld [smem:$0x10];
	(tm) =	ssettm $0x1  }
0x94: {  	s15 =	sld [smem:$0x3FFB];
	_ =	sdelay $0x3  }
0x95: {  	_ =	strace s15  }
0x96: {  	s2 =	sld [smem:$0x3FFC];
	_ =	sdelay $0x3  }
0x97: {  	_ =	strace s2  }
0x98: {  	s2 =	sld [smem:$0x3FFD];
	_ =	sdelay $0x3  }
0x99: {  	_ =	strace s2  }
0x9a: {  	_ =	strace $0x8FFFFFFF  }
0x9b: {  	s16 =	sld [smem:$0x3FDB];
	_ =	sdelay $0x1  }
0x9c: {  	s17 =	simm.s32 $_scs_section_size  }
0x9d: {  	s4 =	simm.s32 $_size__tile_overlayer_lowered;
	s5 =	simm.s32 $_tile_overlayer_lowered  }
0x9e: {  	s20 =	simm.s32 $0x1BFF;
	s19 =	sshll.u32 s5, $0x1;
	s2 =	sadd.s32 s17, s16  }
0x9f: {  	s6 =	simm.s32 $0x0;
	s18 =	sshll.u32 s4, $0x1;
	s4 =	sadd.s32 s19, s2  }
0xa0: {  	[timem:s6], [sflag:s20] =	dma.local [hbm:s4], s18  }
0xa1: {  	_ =	swait.ge [sflag:s20], s18  }
0xa2: {  	s3 =	ssub.s32 $0x0, s18;
	[sflag:s20] =	ssyncset.done $0x0  }
0xa3: {  	[sflag:s20] =	ssyncadd.s32 s3;
	_ =	sdelay $0x1  }
0xa4: {  	s21 =	simm.s32 $0x1B8B  }
0xa5: {  	_ =	swait.ge [sflag:s21], $0x1  }
0xa6: {  	[sflag:s21] =	ssyncset.done $0x0  }
0xa7: {  	s23 =	simm.s32 $0x1B8E;
	s22 =	sld [smem:$0x3FFE];
	[sflag:s21] =	ssyncadd.s32 $0xFFFFFFFF  }
0xa8: {  	s24 =	simm.s32 $execute0_lowered;
	[smem:$0x3FD2] =	sst s23  }
0xa9: {  	s4 =	sshll.u32 s24, $0x1;
	_ =	strace $0x80000046;
	[dreg:$0x1] =	wrdreg $0xFFFFFFFF  }
0xaa: {  	s25 =	simm.s32 $_size_execute0_lowered;
	s2 =	sadd.s32 s2, s4;
	[dreg:$0x0] =	wrdreg $0x0  }
0xab: {  	s4 =	sshll.u32 s25, $0x1;
	[dreg:$0x2] =	wrdreg s2  }
0xac: {  	[dreg:$0x3] =	wrdreg s4  }
0xad: {  	[dreg:$0x4] =	wrdreg $0xC0  }
0xae: {  	_ =	task [dreg:s6], $0x5FFFF  }
0xaf: {  	[dreg:$0x1] =	wrdreg $0xFFFFFFFF  }
0xb0: {  	[dreg:$0x0] =	wrdreg $0x60  }
0xb1: {  	[dreg:$0x2] =	wrdreg s13  }
0xb2: {  	[dreg:$0x3] =	wrdreg s22  }
0xb3: {  	[dreg:$0x4] =	wrdreg s14  }
0xb4: {  	[dreg:$0x5] =	wrdreg $0x9  }
0xb5: {  	_ =	task.clear_ibuf [dreg:s6], $0x6FFFF;
	_ =	strace $0x90000046  }
0xb6: {  	s26 =	simm.s32 $0x9;
	_ =	strace $0x80000048  }
0xb7: {  	_ =	swait.ge [sflag:s26], $0x1  }
0xb8: {  	[sflag:s26] =	ssyncadd.s32 $0xFFFFFFFF  }
0xb9: {  	_ =	strace $0x90000048  }
0xba: {  	_ =	sfence  }
0xbb: {  	s28 =	sld [smem:$0x0];
	_ =	sdelay $0x1  }
0xbc: {  	s29 =	srdreg.scid  }
0xbd: {  	s30 =	sshll.u32 s29, $0xD;
	s31 =	sshrl.u32 s29, $0x2  }
0xbe: {  	s1 =	sand.u32 $0x1, s29;
	s2 =	sand.u32 $0x4000, s30;
	s0 =	sadd.s32 s31, s28  }
0xbf: {  	s1 =	sor.u32 s2, s1;
	s0 =	sshll.u32 s0, $0x11  }
0xc0: {  	s0 =	sor.u32 s0, s1  }
0xc1: {  	s0 =	sadd.s32 $0x8F2B, s0  }
0xc2: {  	[sflag:s0] =	ssyncadd.remote.s32 $0x1  }
0xc3: {  	_ =	sfence.sel $0xFFFF  }
0xc4: {  	[dreg:$0x0] =	wrdreg $0xFFFFFFFF;
	(pc) =	sbr.abs _section_cstart, $3  }
0xc5: {  	[dreg:$0x1] =	wrdreg $0xFFFFFFFF  }
0xc6: {  	_ =	task.clear_ibuf [dreg:s6], $0x2FFFF;
	_ =	strace $0x9FFFFFFF  }
0xc7: {  	(tm) =	ssettm $0x7FFFFFFF  }
tec
execute0_lowered:
.L_overlay_start_1:
0x0: {  	(tag) =	ssettag $0x1  }
0x1: {  	s2 =	rddreg [dreg:$0x0]  }
0x2: {  	s3 =	rddreg [dreg:$0x1]  }
0x3: {  	s4 =	rddreg [dreg:$0x2];
	s1 =	stileid.u32  }
0x4: {  	s0 =	rddreg [dreg:$0x3];
	s5 =	sshrl.u32 s1, $0x3;
	s6 =	sand.u32 $0x7, s1  }
0x5: {  	s7 =	simm.s32 $0x0;
	s8 =	sshll.u32 s6, $0x9;
	s9 =	sshll.u32 s5, $0x7  }
0x6: {  	s11 =	simm.s32 $0x5;
	[smem:$0x7FF] =	sst s7;
	s8 =	sor.u32 s9, s8  }
0x7: {  	s3 =	sadd.s32 $0xC00, s3;
	s10 =	sshll.u32 s6, $0x8;
	s8 =	sshrl.u32 s8, $0x3  }
0x8: {  	_ =	strace $0x80000047;
	s10 =	sor.u32 $0x80, s10;
	s8 =	sadd.s32 s3, s8  }
0x9: {  	[tilespmem:s7], [sflag:$0x5] =	stream.linear.gather [hbm4b:s8+s7], $0x80, $0x38;
	[tilespmem:$0x8100] =	vst v63  }
0xa: {  	s19 =	sshll.u32 s10, $0x1;
	_ =	swait.ge [sflag:s11], $0x80  }
0xb: {  	s20 =	simm.s32 $0x80;
	s8 =	sor.u32 s9, s19;
	[sflag:s11] =	ssyncset.done $0x0  }
0xc: {  	s12 =	simm.s32 $0x100;
	s8 =	sshrl.u32 s8, $0x3;
	[sflag:s11] =	ssyncadd.s32 $0xFFFFFF80  }
0xd: {  	[tilespmem:s12], [sflag:$0x1] =	stream.indirect.gather [hbm4b:s2+s20], $0x80, s7, s20, $0xb8;
	[tilespmem:$0x8100] =	vst v63  }
0xe: {  	s3 =	sadd.s32 s3, s8  }
0xf: {  	[tilespmem:s20], [sflag:$0x5] =	stream.linear.gather [hbm4b:s3+s7], $0x80, $0x38;
	[tilespmem:$0x8100] =	vst v63  }
0x10: {  	s22 =	simm.s32 $0x4100;
	_ =	swait.ge [sflag:s11], $0x80  }
0x11: {  	s24 =	simm.s32 $0x1;
	s25 =	simm.s32 $0x400;
	[sflag:s11] =	ssyncset.done $0x0  }
0x12: {  	s21 =	sshll.u32 s6, $0x10;
	s5 =	sshll.u32 s5, $0xA;
	[sflag:s11] =	ssyncadd.s32 $0xFFFFFF80  }
0x13: {  	[tilespmem:s22], [sflag:$0x2] =	stream.indirect.gather [hbm4b:s2+s20], $0x80, s20, s20, $0xb8;
	[tilespmem:$0x8100] =	vst v63  }
0x14: {  	s26 =	simm.s32 $0x800;
	s23 =	sor.u32 s5, s21;
	_ =	swait.ge [sflag:s24], $0x4000  }
0x15: {  	s29 =	simm.s32 $0x2;
	s2 =	sshrl.u32 s23, $0x3;
	[sflag:s24] =	ssyncset.done $0x0  }
0x16: {  	s28 =	sshll.u32 s10, $0x8;
	s2 =	sadd.s32 s4, s2;
	[sflag:s24] =	ssyncadd.s32 $0xFFFFC000  }
0x17: {  	[hbm4b:s2+s25] =	stream.strided.scatter [tilespmem:s12], [sflag:$0x3], $0x4000, s26, s25, $0x38;
	[tilespmem:$0x8100] =	vst v63  }
0x18: {  	s2 =	sor.u32 s5, s28;
	_ =	swait.ge [sflag:s29], $0x4000  }
0x19: {  	s2 =	sshrl.u32 s2, $0x3;
	[sflag:s29] =	ssyncset.done $0x0  }
0x1a: {  	s30 =	simm.s32 $0x3;
	s2 =	sadd.s32 s4, s2;
	[sflag:s29] =	ssyncadd.s32 $0xFFFFC000  }
0x1b: {  	[hbm4b:s2+s25] =	stream.strided.scatter [tilespmem:s22], [sflag:$0x4], $0x4000, s26, s25, $0x38;
	[tilespmem:$0x8100] =	vst v63  }
0x1c: {  	_ =	swait.ge [sflag:s30], $0x4000  }
0x1d: {  	[sflag:s30] =	ssyncset.done $0x0  }
0x1e: {  	s31 =	simm.s32 $0x4;
	[sflag:s30] =	ssyncadd.s32 $0xFFFFC000  }
0x1f: {  	_ =	swait.ge [sflag:s31], $0x4000  }
0x20: {  	[sflag:s31] =	ssyncset.done $0x0  }
0x21: {  	[sflag:s31] =	ssyncadd.s32 $0xFFFFC000  }
0x22: {  	_ =	sfence.sel $0x180000  }
0x23: {  	[bflag:$0x0] =	sbarrier.arrive $0xFFFF  }
0x24: {  	p0 =	sne.s32 s1, $0x0;
	_ =	strace $0x90000047  }
0x25: {  	s0 =	sadd.s32 @!p0 $0x100000, s0;
	[bflag:$0x2] =	sbarrier.arrive $0xFFFF  }
0x26: {  	[sflag:s0] =	ssyncadd.tile.s32 @!p0 $0x1;
	_ =	shalt  }
.Lfunc_end2:
_tile_overlayer_lowered:
.L_overlay_start_2:
0x27: {  	(tag) =	ssettag $0x2  }
0x28: {  	s0 =	rddreg [dreg:$0x0];
	s2 =	stileid.u32  }
0x29: {  	s1 =	rddreg [dreg:$0x1];
	p0 =	sne.s32 s2, $0x0  }
0x2a: {  	s3 =	rddreg [dreg:$0x2];
	[bflag:$0x3] =	sbarrier.arrive $0xFFFF;
	s2 =	simm.s32 @!p0 $0x1C05  }
0x2b: {  	[timem:s3], [sflag:s2] =	dma.local @!p0 [hbm:s0], s1  }
0x2c: {  	s0 =	simm.s32 @!p0 $0x5  }
0x2d: {  	_ =	swait.ge @!p0 [sflag:s0], s1  }
0x2e: {  	s1 =	ssub.s32 @!p0 $0x0, s1;
	[sflag:s0] =	ssyncset.done @!p0 $0x0  }
0x2f: {  	[sflag:s0] =	ssyncadd.s32 @!p0 s1  }
0x30: {  	[bflag:$0x3] =	sbarrier.arrive $0xFFFF  }
0x31: {  	_ =	shalt  }

</sc_bundles>
